<compile_context>
chip_gen: v7x
topology: tpu7x:2x2x1
jax: 0.10.2.dev20260603
libtpu: 0.0.44.dev20260713+nightly
codegen_flags: <defaults>
</compile_context>

<pallas_src>
import jax
import jax.numpy as jnp
from jax import lax
from jax.experimental import pallas as pl
from jax.experimental.pallas import tpu as pltpu
from jax.experimental.pallas import tpu_sc as plsc

N_NODES = 10000
N_EDGES = 160000
F = 256
HALF = 128

NC = 2
NS = 16
CHUNK = 64
E_PAD = 163840
E_PER_TILE = E_PAD // NS
NCHUNK = E_PER_TILE // CHUNK
NP = 10240
ROWS_PER_TILE = NP // NS


def _linear_body(x_ref, wt_ref, b_ref, out_ref):
    h = jnp.dot(x_ref[...], wt_ref[...], preferred_element_type=jnp.float32)
    h = h + b_ref[...]
    out_ref[0] = h[:, :HALF]
    out_ref[1] = h[:, HALF:]


def _linear(x, wt, b2d):
    blk = 1024
    grid = NP // blk
    return pl.pallas_call(
        _linear_body,
        grid=(grid,),
        in_specs=[
            pl.BlockSpec((blk, F), lambda i: (i, 0)),
            pl.BlockSpec((F, F), lambda i: (0, 0)),
            pl.BlockSpec((1, F), lambda i: (0, 0)),
        ],
        out_specs=pl.BlockSpec((2, blk, HALF), lambda i: (0, i, 0)),
        out_shape=jax.ShapeDtypeStruct((2, NP, HALF), jnp.float32),
    )(x, wt, b2d)


NBUF = 4
DELAY = 1
PHASES = 4
IDXBLK = NCHUNK // PHASES


def _sc_agg_body(hcat, src_i, dst_i, out, src_v, dst_v, *rest):
    rows_bufs = rest[:NBUF]
    acc = rest[NBUF]
    gsems = rest[NBUF + 1:2 * NBUF + 1]
    ssems = rest[2 * NBUF + 1:]
    c = lax.axis_index("c")
    s = lax.axis_index("s")
    row0 = s * ROWS_PER_TILE
    pltpu.sync_copy(
        hcat.at[pl.ds(c * NP + row0, ROWS_PER_TILE)],
        acc.at[pl.ds(row0, ROWS_PER_TILE)],
    )
    plsc.subcore_barrier()

    def run_phase(p, carry):
        pltpu.sync_copy(src_i.at[c, s, pl.ds(p * IDXBLK, IDXBLK)], src_v)
        pltpu.sync_copy(dst_i.at[s, pl.ds(p * IDXBLK, IDXBLK)], dst_v)

        for b in range(NBUF):
            pltpu.async_copy(hcat.at[src_v.at[b]], rows_bufs[b], gsems[b])

        def body(g, carry):
            for b in range(NBUF):
                j = g * NBUF + b
                pltpu.make_async_copy(
                    hcat.at[src_v.at[j]], rows_bufs[b], gsems[b]
                ).wait()
                pltpu.async_copy(
                    rows_bufs[b], acc.at[dst_v.at[j]], ssems[b], add=True
                )
                jd = j - DELAY
                bb = (b - DELAY) % NBUF

                @pl.when((jd >= 0) & (jd + NBUF < IDXBLK))
                def _():
                    pltpu.make_async_copy(
                        rows_bufs[bb], acc.at[dst_v.at[jd]], ssems[bb]
                    ).wait()
                    pltpu.async_copy(
                        hcat.at[src_v.at[jd + NBUF]], rows_bufs[bb], gsems[bb]
                    )
            return carry

        carry = lax.fori_loop(0, IDXBLK // NBUF, body, carry)
        for b in range(NBUF):
            jt = IDXBLK - NBUF + b
            pltpu.make_async_copy(
                rows_bufs[b], acc.at[dst_v.at[jt]], ssems[b]
            ).wait()
        return carry

    lax.fori_loop(0, PHASES, run_phase, 0)
    plsc.subcore_barrier()
    pltpu.sync_copy(
        acc.at[pl.ds(row0, ROWS_PER_TILE)],
        out.at[c, pl.ds(row0, ROWS_PER_TILE)],
    )


def _sc_agg(hcat, src_i, dst_i):
    mesh = plsc.VectorSubcoreMesh(core_axis_name="c", subcore_axis_name="s")
    return pl.kernel(
        _sc_agg_body,
        out_type=jax.ShapeDtypeStruct((2, NP, HALF), jnp.float32),
        mesh=mesh,
        scratch_types=[
            pltpu.VMEM((IDXBLK, CHUNK), jnp.int32),
            pltpu.VMEM((IDXBLK, CHUNK), jnp.int32),
            *[pltpu.VMEM((CHUNK, HALF), jnp.float32) for _ in range(NBUF)],
            pltpu.VMEM_SHARED((NP, HALF), jnp.float32),
        ] + [pltpu.SemaphoreType.DMA] * (2 * NBUF),
    )(hcat, src_i, dst_i)


@jax.jit
def kernel(x, edge_index, W, b):
    src = edge_index[0].astype(jnp.int32)
    dst = edge_index[1].astype(jnp.int32)
    pad = E_PAD - N_EDGES
    src_p = jnp.concatenate([src, jnp.zeros((pad,), jnp.int32)])
    dst_p = jnp.concatenate([dst, jnp.full((pad,), N_NODES, jnp.int32)])
    src_i = jnp.stack([src_p, src_p + NP]).reshape(NC, NS, NCHUNK, CHUNK)
    dst_i = dst_p.reshape(NS, NCHUNK, CHUNK)

    xp = jnp.pad(x, ((0, NP - N_NODES), (0, 0)))
    h2 = _linear(xp, W.T, b.reshape(1, F))
    hcat = h2.reshape(2 * NP, HALF)

    out2 = _sc_agg(hcat, src_i, dst_i)
    return jnp.concatenate([out2[0, :N_NODES], out2[1, :N_NODES]], axis=1)

# --- scband reference (transcript-rebuilt; emitter-appended) ---
"""Pipeline reference for scband-attention-45792941310624 (READ-ONLY COPY).

The authoritative reference and input builder live on the scoring server;
editing this copy changes nothing except your own understanding.
"""

import jax, jax.numpy as jnp
import numpy as np

N_NODES = 10000
N_EDGES = 160000
IN_F = 256
OUT_F = 256
HEADS = 1

def setup_inputs(seed: int = 0) -> dict:
    key = jax.random.key(seed)
    k1, k2, k3, k4 = jax.random.split(key, 4)
    x = jax.random.normal(k1, (N_NODES, IN_F), dtype=jnp.float32)
    edge_index = jax.random.randint(k2, (2, N_EDGES), 0, N_NODES, dtype=jnp.int64)
    # Linear layer params (PyTorch default init: U(-1/sqrt(fan_in), 1/sqrt(fan_in)))
    bound = 1.0 / np.sqrt(IN_F)
    W = jax.random.uniform(k3, (OUT_F, IN_F), minval=-bound, maxval=bound, dtype=jnp.float32)
    b = jax.random.uniform(k4, (OUT_F,), minval=-bound, maxval=bound, dtype=jnp.float32)
    return {"x": x, "edge_index": edge_index, "W": W, "b": b}

def reference(x, edge_index, W, b):
    N = x.shape[0]
    # ConstantConv.forward: add self loops, linear, propagate with aggr='add'
    self_loops = jnp.arange(N, dtype=edge_index.dtype)
    src = jnp.concatenate([edge_index[0], self_loops])
    dst = jnp.concatenate([edge_index[1], self_loops])
    h = x @ W.T + b
    msgs = jnp.take(h, src, axis=0)  # message: x_j (source nodes)
    out = jax.ops.segment_sum(msgs, dst, num_segments=N)
    # Attention.forward: not GATConv, concat=True -> repeat(1, heads); heads=1
    out = jnp.tile(out, (1, HEADS))
    return out

if __name__ == "__main__":
    import jax
    _d = setup_inputs()
    print(jax.jit(kernel)(*tuple(_d.values())))

</pallas_src>

<mosaic_0001>
#map = affine_map<(d0, d1) -> (0, 0)>
#map1 = affine_map<(d0, d1) -> (0, 0, 0, 0)>
#map2 = affine_map<(d0, d1) -> (0, 0, 0)>
module attributes {stable_mosaic.version = 14 : i64} {
  func.func @_sc_agg_body(%arg0: i32, %arg1: i32, %arg2: memref<20480x128xf32, #tpu.memory_space<hbm>>, %arg3: memref<2x16x160x64xi32, #tpu.memory_space<hbm>>, %arg4: memref<16x160x64xi32, #tpu.memory_space<hbm>>, %arg5: memref<2x10240x128xf32, #tpu.memory_space<hbm>>, %arg6: memref<40x64xi32, #tpu.memory_space<vmem>>, %arg7: memref<40x64xi32, #tpu.memory_space<vmem>>, %arg8: memref<64x128xf32, #tpu.memory_space<vmem>>, %arg9: memref<64x128xf32, #tpu.memory_space<vmem>>, %arg10: memref<64x128xf32, #tpu.memory_space<vmem>>, %arg11: memref<64x128xf32, #tpu.memory_space<vmem>>, %arg12: memref<10240x128xf32, #tpu.memory_space<vmem_shared>>, %arg13: memref<!tpu.dma_semaphore, #tpu.memory_space<semaphore_mem>>, %arg14: memref<!tpu.dma_semaphore, #tpu.memory_space<semaphore_mem>>, %arg15: memref<!tpu.dma_semaphore, #tpu.memory_space<semaphore_mem>>, %arg16: memref<!tpu.dma_semaphore, #tpu.memory_space<semaphore_mem>>, %arg17: memref<!tpu.dma_semaphore, #tpu.memory_space<semaphore_mem>>, %arg18: memref<!tpu.dma_semaphore, #tpu.memory_space<semaphore_mem>>, %arg19: memref<!tpu.dma_semaphore, #tpu.memory_space<semaphore_mem>>, %arg20: memref<!tpu.dma_semaphore, #tpu.memory_space<semaphore_mem>>) attributes {dimension_semantics = [#tpu.dimension_semantics<core_parallel>, #tpu.dimension_semantics<subcore_parallel>], iteration_bounds = array<i64: 2, 16>, scalar_prefetch = 0 : i64, scratch_operands = 15 : i64, tpu.core_type = #tpu.core_type<sc_vector_subcore>, window_params = [{transform_indices = #map}, {transform_indices = #map1}, {transform_indices = #map2}, {transform_indices = #map2}]} {
    %mul3A = arith.constant 640 : i32
    %mul3A_0 = arith.muli %arg1, %mul3A : i32
    %mul3A_1 = arith.constant 10240 : i32
    %mul3A_2 = arith.muli %arg0, %mul3A_1 : i32
    %add3A = arith.addi %mul3A_2, %mul3A_0 : i32
    "tpu.region"() ({
      %run_scoped3A = tpu.sem_alloc : memref<!tpu.dma_semaphore, #tpu.memory_space<semaphore_mem>>
      %dma_start3A = arith.constant 0 : i32
      %dma_start3A_9 = tpu.memref_slice %arg12[%mul3A_0, %dma_start3A] : memref<10240x128xf32, #tpu.memory_space<vmem_shared>> -> memref<640x128xf32, #tpu.memory_space<vmem_shared>>
      %dma_start3A_10 = arith.constant 0 : i32
      %dma_start3A_11 = tpu.memref_slice %arg2[%add3A, %dma_start3A_10] : memref<20480x128xf32, #tpu.memory_space<hbm>> -> memref<640x128xf32, #tpu.memory_space<hbm>>
      tpu.enqueue_dma source(%dma_start3A_11 : memref<640x128xf32, #tpu.memory_space<hbm>>) target(%dma_start3A_9 : memref<640x128xf32, #tpu.memory_space<vmem_shared>>) target_semaphore(%run_scoped3A : memref<!tpu.dma_semaphore, #tpu.memory_space<semaphore_mem>>)
      %dma_wait3A = arith.constant 0 : i32
      %dma_wait3A_12 = tpu.memref_slice %arg12[%mul3A_0, %dma_wait3A] : memref<10240x128xf32, #tpu.memory_space<vmem_shared>> -> memref<640x128xf32, #tpu.memory_space<vmem_shared>>
      %dma_wait3A_13 = arith.constant 0 : i32
      %dma_wait3A_14 = tpu.memref_slice %arg2[%add3A, %dma_wait3A_13] : memref<20480x128xf32, #tpu.memory_space<hbm>> -> memref<640x128xf32, #tpu.memory_space<hbm>>
      tpu.wait_dma2 semaphore(%run_scoped3A : memref<!tpu.dma_semaphore, #tpu.memory_space<semaphore_mem>>) src(%dma_wait3A_14 : memref<640x128xf32, #tpu.memory_space<hbm>>) dst(%dma_wait3A_12 : memref<640x128xf32, #tpu.memory_space<vmem_shared>>)
      tpu.yield
    }) : () -> ()
    %barrier3A = arith.constant 0 : index
    tpu.barrier barrier_id(%barrier3A)
    %scan3A = arith.constant 0 : i32
    %scan3A_3 = arith.constant 0 : i32
    %scan3A_4 = arith.constant 4 : i32
    %scan3A_5 = arith.addi %scan3A_3, %scan3A_4 : i32
    %scan3A_6 = arith.constant 1 : i32
    scf.for %scan3A_9 = %scan3A_3 to %scan3A_5 step %scan3A_6  : i32 {
      %mul3A_10 = arith.constant 40 : i32
      %mul3A_11 = arith.muli %scan3A_9, %mul3A_10 : i32
      "tpu.region"() ({
        %run_scoped3A = tpu.sem_alloc : memref<!tpu.dma_semaphore, #tpu.memory_space<semaphore_mem>>
        %dma_start3A_73 = arith.constant 0 : i32
        %dma_start3A_74 = tpu.memref_slice %arg3[%arg0, %arg1, %mul3A_11, %dma_start3A_73] : memref<2x16x160x64xi32, #tpu.memory_space<hbm>> -> memref<1x1x40x64xi32, #tpu.memory_space<hbm>>
        %dma_start3A_75 = tpu.memref_squeeze %dma_start3A_74 : memref<1x1x40x64xi32, #tpu.memory_space<hbm>> -> memref<40x64xi32, #tpu.memory_space<hbm>>
        %dma_start3A_76 = arith.constant 0 : i32
        %dma_start3A_77 = tpu.memref_slice %arg3[%arg0, %arg1, %mul3A_11, %dma_start3A_76] : memref<2x16x160x64xi32, #tpu.memory_space<hbm>> -> memref<1x1x40x64xi32, #tpu.memory_space<hbm>>
        %dma_start3A_78 = tpu.memref_squeeze %dma_start3A_77 : memref<1x1x40x64xi32, #tpu.memory_space<hbm>> -> memref<40x64xi32, #tpu.memory_space<hbm>>
        tpu.enqueue_dma source(%dma_start3A_78 : memref<40x64xi32, #tpu.memory_space<hbm>>) target(%arg6 : memref<40x64xi32, #tpu.memory_space<vmem>>) target_semaphore(%run_scoped3A : memref<!tpu.dma_semaphore, #tpu.memory_space<semaphore_mem>>)
        %dma_wait3A_79 = arith.constant 0 : i32
        %dma_wait3A_80 = tpu.memref_slice %arg3[%arg0, %arg1, %mul3A_11, %dma_wait3A_79] : memref<2x16x160x64xi32, #tpu.memory_space<hbm>> -> memref<1x1x40x64xi32, #tpu.memory_space<hbm>>
        %dma_wait3A_81 = tpu.memref_squeeze %dma_wait3A_80 : memref<1x1x40x64xi32, #tpu.memory_space<hbm>> -> memref<40x64xi32, #tpu.memory_space<hbm>>
        %dma_wait3A_82 = arith.constant 0 : i32
        %dma_wait3A_83 = tpu.memref_slice %arg3[%arg0, %arg1, %mul3A_11, %dma_wait3A_82] : memref<2x16x160x64xi32, #tpu.memory_space<hbm>> -> memref<1x1x40x64xi32, #tpu.memory_space<hbm>>
        %dma_wait3A_84 = tpu.memref_squeeze %dma_wait3A_83 : memref<1x1x40x64xi32, #tpu.memory_space<hbm>> -> memref<40x64xi32, #tpu.memory_space<hbm>>
        tpu.wait_dma2 semaphore(%run_scoped3A : memref<!tpu.dma_semaphore, #tpu.memory_space<semaphore_mem>>) src(%dma_wait3A_84 : memref<40x64xi32, #tpu.memory_space<hbm>>) dst(%arg6 : memref<40x64xi32, #tpu.memory_space<vmem>>)
        tpu.yield
      }) : () -> ()
      %mul3A_12 = arith.constant 40 : i32
      %mul3A_13 = arith.muli %scan3A_9, %mul3A_12 : i32
      "tpu.region"() ({
        %run_scoped3A = tpu.sem_alloc : memref<!tpu.dma_semaphore, #tpu.memory_space<semaphore_mem>>
        %dma_start3A_73 = arith.constant 0 : i32
        %dma_start3A_74 = tpu.memref_slice %arg4[%arg1, %mul3A_13, %dma_start3A_73] : memref<16x160x64xi32, #tpu.memory_space<hbm>> -> memref<1x40x64xi32, #tpu.memory_space<hbm>>
        %dma_start3A_75 = tpu.memref_squeeze %dma_start3A_74 : memref<1x40x64xi32, #tpu.memory_space<hbm>> -> memref<40x64xi32, #tpu.memory_space<hbm>>
        %dma_start3A_76 = arith.constant 0 : i32
        %dma_start3A_77 = tpu.memref_slice %arg4[%arg1, %mul3A_13, %dma_start3A_76] : memref<16x160x64xi32, #tpu.memory_space<hbm>> -> memref<1x40x64xi32, #tpu.memory_space<hbm>>
        %dma_start3A_78 = tpu.memref_squeeze %dma_start3A_77 : memref<1x40x64xi32, #tpu.memory_space<hbm>> -> memref<40x64xi32, #tpu.memory_space<hbm>>
        tpu.enqueue_dma source(%dma_start3A_78 : memref<40x64xi32, #tpu.memory_space<hbm>>) target(%arg7 : memref<40x64xi32, #tpu.memory_space<vmem>>) target_semaphore(%run_scoped3A : memref<!tpu.dma_semaphore, #tpu.memory_space<semaphore_mem>>)
        %dma_wait3A_79 = arith.constant 0 : i32
        %dma_wait3A_80 = tpu.memref_slice %arg4[%arg1, %mul3A_13, %dma_wait3A_79] : memref<16x160x64xi32, #tpu.memory_space<hbm>> -> memref<1x40x64xi32, #tpu.memory_space<hbm>>
        %dma_wait3A_81 = tpu.memref_squeeze %dma_wait3A_80 : memref<1x40x64xi32, #tpu.memory_space<hbm>> -> memref<40x64xi32, #tpu.memory_space<hbm>>
        %dma_wait3A_82 = arith.constant 0 : i32
        %dma_wait3A_83 = tpu.memref_slice %arg4[%arg1, %mul3A_13, %dma_wait3A_82] : memref<16x160x64xi32, #tpu.memory_space<hbm>> -> memref<1x40x64xi32, #tpu.memory_space<hbm>>
        %dma_wait3A_84 = tpu.memref_squeeze %dma_wait3A_83 : memref<1x40x64xi32, #tpu.memory_space<hbm>> -> memref<40x64xi32, #tpu.memory_space<hbm>>
        tpu.wait_dma2 semaphore(%run_scoped3A : memref<!tpu.dma_semaphore, #tpu.memory_space<semaphore_mem>>) src(%dma_wait3A_84 : memref<40x64xi32, #tpu.memory_space<hbm>>) dst(%arg7 : memref<40x64xi32, #tpu.memory_space<vmem>>)
        tpu.yield
      }) : () -> ()
      %dma_start3A = arith.constant 0 : i32
      %dma_start3A_14 = arith.constant 0 : i32
      %dma_start3A_15 = tpu.memref_slice %arg6[%dma_start3A, %dma_start3A_14] : memref<40x64xi32, #tpu.memory_space<vmem>> -> memref<1x64xi32, #tpu.memory_space<vmem>>
      %dma_start3A_16 = tpu.memref_squeeze %dma_start3A_15 : memref<1x64xi32, #tpu.memory_space<vmem>> -> memref<64xi32, #tpu.memory_space<vmem>>
      %dma_start3A_17 = arith.constant 0 : i32
      %dma_start3A_18 = arith.constant 0 : i32
      %dma_start3A_19 = tpu.memref_slice %arg2[%dma_start3A_17, %dma_start3A_18] : memref<20480x128xf32, #tpu.memory_space<hbm>> -> memref<20480x128xf32, #tpu.memory_space<hbm>>
      tpu.enqueue_indirect_dma source(%dma_start3A_19 : memref<20480x128xf32, #tpu.memory_space<hbm>>) target(%arg8 : memref<64x128xf32, #tpu.memory_space<vmem>>) offsets(%dma_start3A_16 : memref<64xi32, #tpu.memory_space<vmem>>) semaphore(%arg13 : memref<!tpu.dma_semaphore, #tpu.memory_space<semaphore_mem>>)
      %dma_start3A_20 = arith.constant 1 : i32
      %dma_start3A_21 = arith.constant 0 : i32
      %dma_start3A_22 = tpu.memref_slice %arg6[%dma_start3A_20, %dma_start3A_21] : memref<40x64xi32, #tpu.memory_space<vmem>> -> memref<1x64xi32, #tpu.memory_space<vmem>>
      %dma_start3A_23 = tpu.memref_squeeze %dma_start3A_22 : memref<1x64xi32, #tpu.memory_space<vmem>> -> memref<64xi32, #tpu.memory_space<vmem>>
      %dma_start3A_24 = arith.constant 0 : i32
      %dma_start3A_25 = arith.constant 0 : i32
      %dma_start3A_26 = tpu.memref_slice %arg2[%dma_start3A_24, %dma_start3A_25] : memref<20480x128xf32, #tpu.memory_space<hbm>> -> memref<20480x128xf32, #tpu.memory_space<hbm>>
      tpu.enqueue_indirect_dma source(%dma_start3A_26 : memref<20480x128xf32, #tpu.memory_space<hbm>>) target(%arg9 : memref<64x128xf32, #tpu.memory_space<vmem>>) offsets(%dma_start3A_23 : memref<64xi32, #tpu.memory_space<vmem>>) semaphore(%arg14 : memref<!tpu.dma_semaphore, #tpu.memory_space<semaphore_mem>>)
      %dma_start3A_27 = arith.constant 2 : i32
      %dma_start3A_28 = arith.constant 0 : i32
      %dma_start3A_29 = tpu.memref_slice %arg6[%dma_start3A_27, %dma_start3A_28] : memref<40x64xi32, #tpu.memory_space<vmem>> -> memref<1x64xi32, #tpu.memory_space<vmem>>
      %dma_start3A_30 = tpu.memref_squeeze %dma_start3A_29 : memref<1x64xi32, #tpu.memory_space<vmem>> -> memref<64xi32, #tpu.memory_space<vmem>>
      %dma_start3A_31 = arith.constant 0 : i32
      %dma_start3A_32 = arith.constant 0 : i32
      %dma_start3A_33 = tpu.memref_slice %arg2[%dma_start3A_31, %dma_start3A_32] : memref<20480x128xf32, #tpu.memory_space<hbm>> -> memref<20480x128xf32, #tpu.memory_space<hbm>>
      tpu.enqueue_indirect_dma source(%dma_start3A_33 : memref<20480x128xf32, #tpu.memory_space<hbm>>) target(%arg10 : memref<64x128xf32, #tpu.memory_space<vmem>>) offsets(%dma_start3A_30 : memref<64xi32, #tpu.memory_space<vmem>>) semaphore(%arg15 : memref<!tpu.dma_semaphore, #tpu.memory_space<semaphore_mem>>)
      %dma_start3A_34 = arith.constant 3 : i32
      %dma_start3A_35 = arith.constant 0 : i32
      %dma_start3A_36 = tpu.memref_slice %arg6[%dma_start3A_34, %dma_start3A_35] : memref<40x64xi32, #tpu.memory_space<vmem>> -> memref<1x64xi32, #tpu.memory_space<vmem>>
      %dma_start3A_37 = tpu.memref_squeeze %dma_start3A_36 : memref<1x64xi32, #tpu.memory_space<vmem>> -> memref<64xi32, #tpu.memory_space<vmem>>
      %dma_start3A_38 = arith.constant 0 : i32
      %dma_start3A_39 = arith.constant 0 : i32
      %dma_start3A_40 = tpu.memref_slice %arg2[%dma_start3A_38, %dma_start3A_39] : memref<20480x128xf32, #tpu.memory_space<hbm>> -> memref<20480x128xf32, #tpu.memory_space<hbm>>
      tpu.enqueue_indirect_dma source(%dma_start3A_40 : memref<20480x128xf32, #tpu.memory_space<hbm>>) target(%arg11 : memref<64x128xf32, #tpu.memory_space<vmem>>) offsets(%dma_start3A_37 : memref<64xi32, #tpu.memory_space<vmem>>) semaphore(%arg16 : memref<!tpu.dma_semaphore, #tpu.memory_space<semaphore_mem>>)
      %scan3A_41 = arith.constant 0 : i32
      %scan3A_42 = arith.constant 10 : i32
      %scan3A_43 = arith.addi %scan3A_41, %scan3A_42 : i32
      %scan3A_44 = arith.constant 1 : i32
      scf.for %scan3A_73 = %scan3A_41 to %scan3A_43 step %scan3A_44  : i32 {
        %mul3A_74 = arith.constant 4 : i32
        %mul3A_75 = arith.muli %scan3A_73, %mul3A_74 : i32
        %add3A_76 = arith.constant 0 : i32
        %add3A_77 = arith.addi %mul3A_75, %add3A_76 : i32
        %dma_wait3A_78 = arith.constant 0 : i32
        %dma_wait3A_79 = tpu.memref_slice %arg6[%add3A_77, %dma_wait3A_78] : memref<40x64xi32, #tpu.memory_space<vmem>> -> memref<1x64xi32, #tpu.memory_space<vmem>>
        %dma_wait3A_80 = tpu.memref_squeeze %dma_wait3A_79 : memref<1x64xi32, #tpu.memory_space<vmem>> -> memref<64xi32, #tpu.memory_space<vmem>>
        %dma_wait3A_81 = arith.constant 0 : i32
        %dma_wait3A_82 = arith.constant 0 : i32
        %dma_wait3A_83 = tpu.memref_slice %arg2[%dma_wait3A_81, %dma_wait3A_82] : memref<20480x128xf32, #tpu.memory_space<hbm>> -> memref<20480x128xf32, #tpu.memory_space<hbm>>
        tpu.wait_indirect_dma semaphore(%arg13 : memref<!tpu.dma_semaphore, #tpu.memory_space<semaphore_mem>>) src(%dma_wait3A_83 : memref<20480x128xf32, #tpu.memory_space<hbm>>) dst(%arg8 : memref<64x128xf32, #tpu.memory_space<vmem>>)
        %dma_start3A_84 = arith.constant 0 : i32
        %dma_start3A_85 = tpu.memref_slice %arg7[%add3A_77, %dma_start3A_84] : memref<40x64xi32, #tpu.memory_space<vmem>> -> memref<1x64xi32, #tpu.memory_space<vmem>>
        %dma_start3A_86 = tpu.memref_squeeze %dma_start3A_85 : memref<1x64xi32, #tpu.memory_space<vmem>> -> memref<64xi32, #tpu.memory_space<vmem>>
        %dma_start3A_87 = arith.constant 0 : i32
        %dma_start3A_88 = arith.constant 0 : i32
        %dma_start3A_89 = tpu.memref_slice %arg12[%dma_start3A_87, %dma_start3A_88] : memref<10240x128xf32, #tpu.memory_space<vmem_shared>> -> memref<10240x128xf32, #tpu.memory_space<vmem_shared>>
        tpu.enqueue_indirect_dma source(%arg8 : memref<64x128xf32, #tpu.memory_space<vmem>>) target(%dma_start3A_89 : memref<10240x128xf32, #tpu.memory_space<vmem_shared>>) offsets(%dma_start3A_86 : memref<64xi32, #tpu.memory_space<vmem>>) semaphore(%arg17 : memref<!tpu.dma_semaphore, #tpu.memory_space<semaphore_mem>>) {add = true}
        %sub3A = arith.constant 1 : i32
        %sub3A_90 = arith.subi %add3A_77, %sub3A : i32
        %ge3A = arith.constant 0 : i32
        %ge3A_91 = arith.cmpi sge, %sub3A_90, %ge3A : i32
        %add3A_92 = arith.constant 4 : i32
        %add3A_93 = arith.addi %sub3A_90, %add3A_92 : i32
        %lt3A = arith.constant 40 : i32
        %lt3A_94 = arith.cmpi slt, %add3A_93, %lt3A : i32
        %and3A = arith.andi %ge3A_91, %lt3A_94 : i1
        %convert_element_type3A = arith.extui %and3A : i1 to i32
        %cond3A = arith.constant 0 : i32
        %cond3A_95 = arith.cmpi ne, %convert_element_type3A, %cond3A : i32
        scf.if %cond3A_95 {
          %dma_wait3A_180 = arith.constant 0 : i32
          %dma_wait3A_181 = tpu.memref_slice %arg7[%sub3A_90, %dma_wait3A_180] : memref<40x64xi32, #tpu.memory_space<vmem>> -> memref<1x64xi32, #tpu.memory_space<vmem>>
          %dma_wait3A_182 = tpu.memref_squeeze %dma_wait3A_181 : memref<1x64xi32, #tpu.memory_space<vmem>> -> memref<64xi32, #tpu.memory_space<vmem>>
          %dma_wait3A_183 = arith.constant 0 : i32
          %dma_wait3A_184 = arith.constant 0 : i32
          %dma_wait3A_185 = tpu.memref_slice %arg12[%dma_wait3A_183, %dma_wait3A_184] : memref<10240x128xf32, #tpu.memory_space<vmem_shared>> -> memref<10240x128xf32, #tpu.memory_space<vmem_shared>>
          tpu.wait_indirect_dma semaphore(%arg20 : memref<!tpu.dma_semaphore, #tpu.memory_space<semaphore_mem>>) src(%arg11 : memref<64x128xf32, #tpu.memory_space<vmem>>) dst(%dma_wait3A_185 : memref<10240x128xf32, #tpu.memory_space<vmem_shared>>)
          %add3A_186 = arith.constant 4 : i32
          %add3A_187 = arith.addi %sub3A_90, %add3A_186 : i32
          %dma_start3A_188 = arith.constant 0 : i32
          %dma_start3A_189 = tpu.memref_slice %arg6[%add3A_187, %dma_start3A_188] : memref<40x64xi32, #tpu.memory_space<vmem>> -> memref<1x64xi32, #tpu.memory_space<vmem>>
          %dma_start3A_190 = tpu.memref_squeeze %dma_start3A_189 : memref<1x64xi32, #tpu.memory_space<vmem>> -> memref<64xi32, #tpu.memory_space<vmem>>
          %dma_start3A_191 = arith.constant 0 : i32
          %dma_start3A_192 = arith.constant 0 : i32
          %dma_start3A_193 = tpu.memref_slice %arg2[%dma_start3A_191, %dma_start3A_192] : memref<20480x128xf32, #tpu.memory_space<hbm>> -> memref<20480x128xf32, #tpu.memory_space<hbm>>
          tpu.enqueue_indirect_dma source(%dma_start3A_193 : memref<20480x128xf32, #tpu.memory_space<hbm>>) target(%arg11 : memref<64x128xf32, #tpu.memory_space<vmem>>) offsets(%dma_start3A_190 : memref<64xi32, #tpu.memory_space<vmem>>) semaphore(%arg16 : memref<!tpu.dma_semaphore, #tpu.memory_space<semaphore_mem>>)
        } else {
        }
        %mul3A_96 = arith.constant 4 : i32
        %mul3A_97 = arith.muli %scan3A_73, %mul3A_96 : i32
        %add3A_98 = arith.constant 1 : i32
        %add3A_99 = arith.addi %mul3A_97, %add3A_98 : i32
        %dma_wait3A_100 = arith.constant 0 : i32
        %dma_wait3A_101 = tpu.memref_slice %arg6[%add3A_99, %dma_wait3A_100] : memref<40x64xi32, #tpu.memory_space<vmem>> -> memref<1x64xi32, #tpu.memory_space<vmem>>
        %dma_wait3A_102 = tpu.memref_squeeze %dma_wait3A_101 : memref<1x64xi32, #tpu.memory_space<vmem>> -> memref<64xi32, #tpu.memory_space<vmem>>
        %dma_wait3A_103 = arith.constant 0 : i32
        %dma_wait3A_104 = arith.constant 0 : i32
        %dma_wait3A_105 = tpu.memref_slice %arg2[%dma_wait3A_103, %dma_wait3A_104] : memref<20480x128xf32, #tpu.memory_space<hbm>> -> memref<20480x128xf32, #tpu.memory_space<hbm>>
        tpu.wait_indirect_dma semaphore(%arg14 : memref<!tpu.dma_semaphore, #tpu.memory_space<semaphore_mem>>) src(%dma_wait3A_105 : memref<20480x128xf32, #tpu.memory_space<hbm>>) dst(%arg9 : memref<64x128xf32, #tpu.memory_space<vmem>>)
        %dma_start3A_106 = arith.constant 0 : i32
        %dma_start3A_107 = tpu.memref_slice %arg7[%add3A_99, %dma_start3A_106] : memref<40x64xi32, #tpu.memory_space<vmem>> -> memref<1x64xi32, #tpu.memory_space<vmem>>
        %dma_start3A_108 = tpu.memref_squeeze %dma_start3A_107 : memref<1x64xi32, #tpu.memory_space<vmem>> -> memref<64xi32, #tpu.memory_space<vmem>>
        %dma_start3A_109 = arith.constant 0 : i32
        %dma_start3A_110 = arith.constant 0 : i32
        %dma_start3A_111 = tpu.memref_slice %arg12[%dma_start3A_109, %dma_start3A_110] : memref<10240x128xf32, #tpu.memory_space<vmem_shared>> -> memref<10240x128xf32, #tpu.memory_space<vmem_shared>>
        tpu.enqueue_indirect_dma source(%arg9 : memref<64x128xf32, #tpu.memory_space<vmem>>) target(%dma_start3A_111 : memref<10240x128xf32, #tpu.memory_space<vmem_shared>>) offsets(%dma_start3A_108 : memref<64xi32, #tpu.memory_space<vmem>>) semaphore(%arg18 : memref<!tpu.dma_semaphore, #tpu.memory_space<semaphore_mem>>) {add = true}
        %sub3A_112 = arith.constant 1 : i32
        %sub3A_113 = arith.subi %add3A_99, %sub3A_112 : i32
        %ge3A_114 = arith.constant 0 : i32
        %ge3A_115 = arith.cmpi sge, %sub3A_113, %ge3A_114 : i32
        %add3A_116 = arith.constant 4 : i32
        %add3A_117 = arith.addi %sub3A_113, %add3A_116 : i32
        %lt3A_118 = arith.constant 40 : i32
        %lt3A_119 = arith.cmpi slt, %add3A_117, %lt3A_118 : i32
        %and3A_120 = arith.andi %ge3A_115, %lt3A_119 : i1
        %convert_element_type3A_121 = arith.extui %and3A_120 : i1 to i32
        %cond3A_122 = arith.constant 0 : i32
        %cond3A_123 = arith.cmpi ne, %convert_element_type3A_121, %cond3A_122 : i32
        scf.if %cond3A_123 {
          %dma_wait3A_180 = arith.constant 0 : i32
          %dma_wait3A_181 = tpu.memref_slice %arg7[%sub3A_113, %dma_wait3A_180] : memref<40x64xi32, #tpu.memory_space<vmem>> -> memref<1x64xi32, #tpu.memory_space<vmem>>
          %dma_wait3A_182 = tpu.memref_squeeze %dma_wait3A_181 : memref<1x64xi32, #tpu.memory_space<vmem>> -> memref<64xi32, #tpu.memory_space<vmem>>
          %dma_wait3A_183 = arith.constant 0 : i32
          %dma_wait3A_184 = arith.constant 0 : i32
          %dma_wait3A_185 = tpu.memref_slice %arg12[%dma_wait3A_183, %dma_wait3A_184] : memref<10240x128xf32, #tpu.memory_space<vmem_shared>> -> memref<10240x128xf32, #tpu.memory_space<vmem_shared>>
          tpu.wait_indirect_dma semaphore(%arg17 : memref<!tpu.dma_semaphore, #tpu.memory_space<semaphore_mem>>) src(%arg8 : memref<64x128xf32, #tpu.memory_space<vmem>>) dst(%dma_wait3A_185 : memref<10240x128xf32, #tpu.memory_space<vmem_shared>>)
          %add3A_186 = arith.constant 4 : i32
          %add3A_187 = arith.addi %sub3A_113, %add3A_186 : i32
          %dma_start3A_188 = arith.constant 0 : i32
          %dma_start3A_189 = tpu.memref_slice %arg6[%add3A_187, %dma_start3A_188] : memref<40x64xi32, #tpu.memory_space<vmem>> -> memref<1x64xi32, #tpu.memory_space<vmem>>
          %dma_start3A_190 = tpu.memref_squeeze %dma_start3A_189 : memref<1x64xi32, #tpu.memory_space<vmem>> -> memref<64xi32, #tpu.memory_space<vmem>>
          %dma_start3A_191 = arith.constant 0 : i32
          %dma_start3A_192 = arith.constant 0 : i32
          %dma_start3A_193 = tpu.memref_slice %arg2[%dma_start3A_191, %dma_start3A_192] : memref<20480x128xf32, #tpu.memory_space<hbm>> -> memref<20480x128xf32, #tpu.memory_space<hbm>>
          tpu.enqueue_indirect_dma source(%dma_start3A_193 : memref<20480x128xf32, #tpu.memory_space<hbm>>) target(%arg8 : memref<64x128xf32, #tpu.memory_space<vmem>>) offsets(%dma_start3A_190 : memref<64xi32, #tpu.memory_space<vmem>>) semaphore(%arg13 : memref<!tpu.dma_semaphore, #tpu.memory_space<semaphore_mem>>)
        } else {
        }
        %mul3A_124 = arith.constant 4 : i32
        %mul3A_125 = arith.muli %scan3A_73, %mul3A_124 : i32
        %add3A_126 = arith.constant 2 : i32
        %add3A_127 = arith.addi %mul3A_125, %add3A_126 : i32
        %dma_wait3A_128 = arith.constant 0 : i32
        %dma_wait3A_129 = tpu.memref_slice %arg6[%add3A_127, %dma_wait3A_128] : memref<40x64xi32, #tpu.memory_space<vmem>> -> memref<1x64xi32, #tpu.memory_space<vmem>>
        %dma_wait3A_130 = tpu.memref_squeeze %dma_wait3A_129 : memref<1x64xi32, #tpu.memory_space<vmem>> -> memref<64xi32, #tpu.memory_space<vmem>>
        %dma_wait3A_131 = arith.constant 0 : i32
        %dma_wait3A_132 = arith.constant 0 : i32
        %dma_wait3A_133 = tpu.memref_slice %arg2[%dma_wait3A_131, %dma_wait3A_132] : memref<20480x128xf32, #tpu.memory_space<hbm>> -> memref<20480x128xf32, #tpu.memory_space<hbm>>
        tpu.wait_indirect_dma semaphore(%arg15 : memref<!tpu.dma_semaphore, #tpu.memory_space<semaphore_mem>>) src(%dma_wait3A_133 : memref<20480x128xf32, #tpu.memory_space<hbm>>) dst(%arg10 : memref<64x128xf32, #tpu.memory_space<vmem>>)
        %dma_start3A_134 = arith.constant 0 : i32
        %dma_start3A_135 = tpu.memref_slice %arg7[%add3A_127, %dma_start3A_134] : memref<40x64xi32, #tpu.memory_space<vmem>> -> memref<1x64xi32, #tpu.memory_space<vmem>>
        %dma_start3A_136 = tpu.memref_squeeze %dma_start3A_135 : memref<1x64xi32, #tpu.memory_space<vmem>> -> memref<64xi32, #tpu.memory_space<vmem>>
        %dma_start3A_137 = arith.constant 0 : i32
        %dma_start3A_138 = arith.constant 0 : i32
        %dma_start3A_139 = tpu.memref_slice %arg12[%dma_start3A_137, %dma_start3A_138] : memref<10240x128xf32, #tpu.memory_space<vmem_shared>> -> memref<10240x128xf32, #tpu.memory_space<vmem_shared>>
        tpu.enqueue_indirect_dma source(%arg10 : memref<64x128xf32, #tpu.memory_space<vmem>>) target(%dma_start3A_139 : memref<10240x128xf32, #tpu.memory_space<vmem_shared>>) offsets(%dma_start3A_136 : memref<64xi32, #tpu.memory_space<vmem>>) semaphore(%arg19 : memref<!tpu.dma_semaphore, #tpu.memory_space<semaphore_mem>>) {add = true}
        %sub3A_140 = arith.constant 1 : i32
        %sub3A_141 = arith.subi %add3A_127, %sub3A_140 : i32
        %ge3A_142 = arith.constant 0 : i32
        %ge3A_143 = arith.cmpi sge, %sub3A_141, %ge3A_142 : i32
        %add3A_144 = arith.constant 4 : i32
        %add3A_145 = arith.addi %sub3A_141, %add3A_144 : i32
        %lt3A_146 = arith.constant 40 : i32
        %lt3A_147 = arith.cmpi slt, %add3A_145, %lt3A_146 : i32
        %and3A_148 = arith.andi %ge3A_143, %lt3A_147 : i1
        %convert_element_type3A_149 = arith.extui %and3A_148 : i1 to i32
        %cond3A_150 = arith.constant 0 : i32
        %cond3A_151 = arith.cmpi ne, %convert_element_type3A_149, %cond3A_150 : i32
        scf.if %cond3A_151 {
          %dma_wait3A_180 = arith.constant 0 : i32
          %dma_wait3A_181 = tpu.memref_slice %arg7[%sub3A_141, %dma_wait3A_180] : memref<40x64xi32, #tpu.memory_space<vmem>> -> memref<1x64xi32, #tpu.memory_space<vmem>>
          %dma_wait3A_182 = tpu.memref_squeeze %dma_wait3A_181 : memref<1x64xi32, #tpu.memory_space<vmem>> -> memref<64xi32, #tpu.memory_space<vmem>>
          %dma_wait3A_183 = arith.constant 0 : i32
          %dma_wait3A_184 = arith.constant 0 : i32
          %dma_wait3A_185 = tpu.memref_slice %arg12[%dma_wait3A_183, %dma_wait3A_184] : memref<10240x128xf32, #tpu.memory_space<vmem_shared>> -> memref<10240x128xf32, #tpu.memory_space<vmem_shared>>
          tpu.wait_indirect_dma semaphore(%arg18 : memref<!tpu.dma_semaphore, #tpu.memory_space<semaphore_mem>>) src(%arg9 : memref<64x128xf32, #tpu.memory_space<vmem>>) dst(%dma_wait3A_185 : memref<10240x128xf32, #tpu.memory_space<vmem_shared>>)
          %add3A_186 = arith.constant 4 : i32
          %add3A_187 = arith.addi %sub3A_141, %add3A_186 : i32
          %dma_start3A_188 = arith.constant 0 : i32
          %dma_start3A_189 = tpu.memref_slice %arg6[%add3A_187, %dma_start3A_188] : memref<40x64xi32, #tpu.memory_space<vmem>> -> memref<1x64xi32, #tpu.memory_space<vmem>>
          %dma_start3A_190 = tpu.memref_squeeze %dma_start3A_189 : memref<1x64xi32, #tpu.memory_space<vmem>> -> memref<64xi32, #tpu.memory_space<vmem>>
          %dma_start3A_191 = arith.constant 0 : i32
          %dma_start3A_192 = arith.constant 0 : i32
          %dma_start3A_193 = tpu.memref_slice %arg2[%dma_start3A_191, %dma_start3A_192] : memref<20480x128xf32, #tpu.memory_space<hbm>> -> memref<20480x128xf32, #tpu.memory_space<hbm>>
          tpu.enqueue_indirect_dma source(%dma_start3A_193 : memref<20480x128xf32, #tpu.memory_space<hbm>>) target(%arg9 : memref<64x128xf32, #tpu.memory_space<vmem>>) offsets(%dma_start3A_190 : memref<64xi32, #tpu.memory_space<vmem>>) semaphore(%arg14 : memref<!tpu.dma_semaphore, #tpu.memory_space<semaphore_mem>>)
        } else {
        }
        %mul3A_152 = arith.constant 4 : i32
        %mul3A_153 = arith.muli %scan3A_73, %mul3A_152 : i32
        %add3A_154 = arith.constant 3 : i32
        %add3A_155 = arith.addi %mul3A_153, %add3A_154 : i32
        %dma_wait3A_156 = arith.constant 0 : i32
        %dma_wait3A_157 = tpu.memref_slice %arg6[%add3A_155, %dma_wait3A_156] : memref<40x64xi32, #tpu.memory_space<vmem>> -> memref<1x64xi32, #tpu.memory_space<vmem>>
        %dma_wait3A_158 = tpu.memref_squeeze %dma_wait3A_157 : memref<1x64xi32, #tpu.memory_space<vmem>> -> memref<64xi32, #tpu.memory_space<vmem>>
        %dma_wait3A_159 = arith.constant 0 : i32
        %dma_wait3A_160 = arith.constant 0 : i32
        %dma_wait3A_161 = tpu.memref_slice %arg2[%dma_wait3A_159, %dma_wait3A_160] : memref<20480x128xf32, #tpu.memory_space<hbm>> -> memref<20480x128xf32, #tpu.memory_space<hbm>>
        tpu.wait_indirect_dma semaphore(%arg16 : memref<!tpu.dma_semaphore, #tpu.memory_space<semaphore_mem>>) src(%dma_wait3A_161 : memref<20480x128xf32, #tpu.memory_space<hbm>>) dst(%arg11 : memref<64x128xf32, #tpu.memory_space<vmem>>)
        %dma_start3A_162 = arith.constant 0 : i32
        %dma_start3A_163 = tpu.memref_slice %arg7[%add3A_155, %dma_start3A_162] : memref<40x64xi32, #tpu.memory_space<vmem>> -> memref<1x64xi32, #tpu.memory_space<vmem>>
        %dma_start3A_164 = tpu.memref_squeeze %dma_start3A_163 : memref<1x64xi32, #tpu.memory_space<vmem>> -> memref<64xi32, #tpu.memory_space<vmem>>
        %dma_start3A_165 = arith.constant 0 : i32
        %dma_start3A_166 = arith.constant 0 : i32
        %dma_start3A_167 = tpu.memref_slice %arg12[%dma_start3A_165, %dma_start3A_166] : memref<10240x128xf32, #tpu.memory_space<vmem_shared>> -> memref<10240x128xf32, #tpu.memory_space<vmem_shared>>
        tpu.enqueue_indirect_dma source(%arg11 : memref<64x128xf32, #tpu.memory_space<vmem>>) target(%dma_start3A_167 : memref<10240x128xf32, #tpu.memory_space<vmem_shared>>) offsets(%dma_start3A_164 : memref<64xi32, #tpu.memory_space<vmem>>) semaphore(%arg20 : memref<!tpu.dma_semaphore, #tpu.memory_space<semaphore_mem>>) {add = true}
        %sub3A_168 = arith.constant 1 : i32
        %sub3A_169 = arith.subi %add3A_155, %sub3A_168 : i32
        %ge3A_170 = arith.constant 0 : i32
        %ge3A_171 = arith.cmpi sge, %sub3A_169, %ge3A_170 : i32
        %add3A_172 = arith.constant 4 : i32
        %add3A_173 = arith.addi %sub3A_169, %add3A_172 : i32
        %lt3A_174 = arith.constant 40 : i32
        %lt3A_175 = arith.cmpi slt, %add3A_173, %lt3A_174 : i32
        %and3A_176 = arith.andi %ge3A_171, %lt3A_175 : i1
        %convert_element_type3A_177 = arith.extui %and3A_176 : i1 to i32
        %cond3A_178 = arith.constant 0 : i32
        %cond3A_179 = arith.cmpi ne, %convert_element_type3A_177, %cond3A_178 : i32
        scf.if %cond3A_179 {
          %dma_wait3A_180 = arith.constant 0 : i32
          %dma_wait3A_181 = tpu.memref_slice %arg7[%sub3A_169, %dma_wait3A_180] : memref<40x64xi32, #tpu.memory_space<vmem>> -> memref<1x64xi32, #tpu.memory_space<vmem>>
          %dma_wait3A_182 = tpu.memref_squeeze %dma_wait3A_181 : memref<1x64xi32, #tpu.memory_space<vmem>> -> memref<64xi32, #tpu.memory_space<vmem>>
          %dma_wait3A_183 = arith.constant 0 : i32
          %dma_wait3A_184 = arith.constant 0 : i32
          %dma_wait3A_185 = tpu.memref_slice %arg12[%dma_wait3A_183, %dma_wait3A_184] : memref<10240x128xf32, #tpu.memory_space<vmem_shared>> -> memref<10240x128xf32, #tpu.memory_space<vmem_shared>>
          tpu.wait_indirect_dma semaphore(%arg19 : memref<!tpu.dma_semaphore, #tpu.memory_space<semaphore_mem>>) src(%arg10 : memref<64x128xf32, #tpu.memory_space<vmem>>) dst(%dma_wait3A_185 : memref<10240x128xf32, #tpu.memory_space<vmem_shared>>)
          %add3A_186 = arith.constant 4 : i32
          %add3A_187 = arith.addi %sub3A_169, %add3A_186 : i32
          %dma_start3A_188 = arith.constant 0 : i32
          %dma_start3A_189 = tpu.memref_slice %arg6[%add3A_187, %dma_start3A_188] : memref<40x64xi32, #tpu.memory_space<vmem>> -> memref<1x64xi32, #tpu.memory_space<vmem>>
          %dma_start3A_190 = tpu.memref_squeeze %dma_start3A_189 : memref<1x64xi32, #tpu.memory_space<vmem>> -> memref<64xi32, #tpu.memory_space<vmem>>
          %dma_start3A_191 = arith.constant 0 : i32
          %dma_start3A_192 = arith.constant 0 : i32
          %dma_start3A_193 = tpu.memref_slice %arg2[%dma_start3A_191, %dma_start3A_192] : memref<20480x128xf32, #tpu.memory_space<hbm>> -> memref<20480x128xf32, #tpu.memory_space<hbm>>
          tpu.enqueue_indirect_dma source(%dma_start3A_193 : memref<20480x128xf32, #tpu.memory_space<hbm>>) target(%arg10 : memref<64x128xf32, #tpu.memory_space<vmem>>) offsets(%dma_start3A_190 : memref<64xi32, #tpu.memory_space<vmem>>) semaphore(%arg15 : memref<!tpu.dma_semaphore, #tpu.memory_space<semaphore_mem>>)
        } else {
        }
      }
      %scan3A_45 = arith.constant 10 : i32
      %dma_wait3A = arith.constant 36 : i32
      %dma_wait3A_46 = arith.constant 0 : i32
      %dma_wait3A_47 = tpu.memref_slice %arg7[%dma_wait3A, %dma_wait3A_46] : memref<40x64xi32, #tpu.memory_space<vmem>> -> memref<1x64xi32, #tpu.memory_space<vmem>>
      %dma_wait3A_48 = tpu.memref_squeeze %dma_wait3A_47 : memref<1x64xi32, #tpu.memory_space<vmem>> -> memref<64xi32, #tpu.memory_space<vmem>>
      %dma_wait3A_49 = arith.constant 0 : i32
      %dma_wait3A_50 = arith.constant 0 : i32
      %dma_wait3A_51 = tpu.memref_slice %arg12[%dma_wait3A_49, %dma_wait3A_50] : memref<10240x128xf32, #tpu.memory_space<vmem_shared>> -> memref<10240x128xf32, #tpu.memory_space<vmem_shared>>
      tpu.wait_indirect_dma semaphore(%arg17 : memref<!tpu.dma_semaphore, #tpu.memory_space<semaphore_mem>>) src(%arg8 : memref<64x128xf32, #tpu.memory_space<vmem>>) dst(%dma_wait3A_51 : memref<10240x128xf32, #tpu.memory_space<vmem_shared>>)
      %dma_wait3A_52 = arith.constant 37 : i32
      %dma_wait3A_53 = arith.constant 0 : i32
      %dma_wait3A_54 = tpu.memref_slice %arg7[%dma_wait3A_52, %dma_wait3A_53] : memref<40x64xi32, #tpu.memory_space<vmem>> -> memref<1x64xi32, #tpu.memory_space<vmem>>
      %dma_wait3A_55 = tpu.memref_squeeze %dma_wait3A_54 : memref<1x64xi32, #tpu.memory_space<vmem>> -> memref<64xi32, #tpu.memory_space<vmem>>
      %dma_wait3A_56 = arith.constant 0 : i32
      %dma_wait3A_57 = arith.constant 0 : i32
      %dma_wait3A_58 = tpu.memref_slice %arg12[%dma_wait3A_56, %dma_wait3A_57] : memref<10240x128xf32, #tpu.memory_space<vmem_shared>> -> memref<10240x128xf32, #tpu.memory_space<vmem_shared>>
      tpu.wait_indirect_dma semaphore(%arg18 : memref<!tpu.dma_semaphore, #tpu.memory_space<semaphore_mem>>) src(%arg9 : memref<64x128xf32, #tpu.memory_space<vmem>>) dst(%dma_wait3A_58 : memref<10240x128xf32, #tpu.memory_space<vmem_shared>>)
      %dma_wait3A_59 = arith.constant 38 : i32
      %dma_wait3A_60 = arith.constant 0 : i32
      %dma_wait3A_61 = tpu.memref_slice %arg7[%dma_wait3A_59, %dma_wait3A_60] : memref<40x64xi32, #tpu.memory_space<vmem>> -> memref<1x64xi32, #tpu.memory_space<vmem>>
      %dma_wait3A_62 = tpu.memref_squeeze %dma_wait3A_61 : memref<1x64xi32, #tpu.memory_space<vmem>> -> memref<64xi32, #tpu.memory_space<vmem>>
      %dma_wait3A_63 = arith.constant 0 : i32
      %dma_wait3A_64 = arith.constant 0 : i32
      %dma_wait3A_65 = tpu.memref_slice %arg12[%dma_wait3A_63, %dma_wait3A_64] : memref<10240x128xf32, #tpu.memory_space<vmem_shared>> -> memref<10240x128xf32, #tpu.memory_space<vmem_shared>>
      tpu.wait_indirect_dma semaphore(%arg19 : memref<!tpu.dma_semaphore, #tpu.memory_space<semaphore_mem>>) src(%arg10 : memref<64x128xf32, #tpu.memory_space<vmem>>) dst(%dma_wait3A_65 : memref<10240x128xf32, #tpu.memory_space<vmem_shared>>)
      %dma_wait3A_66 = arith.constant 39 : i32
      %dma_wait3A_67 = arith.constant 0 : i32
      %dma_wait3A_68 = tpu.memref_slice %arg7[%dma_wait3A_66, %dma_wait3A_67] : memref<40x64xi32, #tpu.memory_space<vmem>> -> memref<1x64xi32, #tpu.memory_space<vmem>>
      %dma_wait3A_69 = tpu.memref_squeeze %dma_wait3A_68 : memref<1x64xi32, #tpu.memory_space<vmem>> -> memref<64xi32, #tpu.memory_space<vmem>>
      %dma_wait3A_70 = arith.constant 0 : i32
      %dma_wait3A_71 = arith.constant 0 : i32
      %dma_wait3A_72 = tpu.memref_slice %arg12[%dma_wait3A_70, %dma_wait3A_71] : memref<10240x128xf32, #tpu.memory_space<vmem_shared>> -> memref<10240x128xf32, #tpu.memory_space<vmem_shared>>
      tpu.wait_indirect_dma semaphore(%arg20 : memref<!tpu.dma_semaphore, #tpu.memory_space<semaphore_mem>>) src(%arg11 : memref<64x128xf32, #tpu.memory_space<vmem>>) dst(%dma_wait3A_72 : memref<10240x128xf32, #tpu.memory_space<vmem_shared>>)
    }
    %scan3A_7 = arith.constant 4 : i32
    %barrier3A_8 = arith.constant 0 : index
    tpu.barrier barrier_id(%barrier3A_8)
    "tpu.region"() ({
      %run_scoped3A = tpu.sem_alloc : memref<!tpu.dma_semaphore, #tpu.memory_space<semaphore_mem>>
      %dma_start3A = arith.constant 0 : i32
      %dma_start3A_9 = tpu.memref_slice %arg5[%arg0, %mul3A_0, %dma_start3A] : memref<2x10240x128xf32, #tpu.memory_space<hbm>> -> memref<1x640x128xf32, #tpu.memory_space<hbm>>
      %dma_start3A_10 = tpu.memref_squeeze %dma_start3A_9 : memref<1x640x128xf32, #tpu.memory_space<hbm>> -> memref<640x128xf32, #tpu.memory_space<hbm>>
      %dma_start3A_11 = arith.constant 0 : i32
      %dma_start3A_12 = tpu.memref_slice %arg12[%mul3A_0, %dma_start3A_11] : memref<10240x128xf32, #tpu.memory_space<vmem_shared>> -> memref<640x128xf32, #tpu.memory_space<vmem_shared>>
      tpu.enqueue_dma source(%dma_start3A_12 : memref<640x128xf32, #tpu.memory_space<vmem_shared>>) target(%dma_start3A_10 : memref<640x128xf32, #tpu.memory_space<hbm>>) target_semaphore(%run_scoped3A : memref<!tpu.dma_semaphore, #tpu.memory_space<semaphore_mem>>)
      %dma_wait3A = arith.constant 0 : i32
      %dma_wait3A_13 = tpu.memref_slice %arg5[%arg0, %mul3A_0, %dma_wait3A] : memref<2x10240x128xf32, #tpu.memory_space<hbm>> -> memref<1x640x128xf32, #tpu.memory_space<hbm>>
      %dma_wait3A_14 = tpu.memref_squeeze %dma_wait3A_13 : memref<1x640x128xf32, #tpu.memory_space<hbm>> -> memref<640x128xf32, #tpu.memory_space<hbm>>
      %dma_wait3A_15 = arith.constant 0 : i32
      %dma_wait3A_16 = tpu.memref_slice %arg12[%mul3A_0, %dma_wait3A_15] : memref<10240x128xf32, #tpu.memory_space<vmem_shared>> -> memref<640x128xf32, #tpu.memory_space<vmem_shared>>
      tpu.wait_dma2 semaphore(%run_scoped3A : memref<!tpu.dma_semaphore, #tpu.memory_space<semaphore_mem>>) src(%dma_wait3A_16 : memref<640x128xf32, #tpu.memory_space<vmem_shared>>) dst(%dma_wait3A_14 : memref<640x128xf32, #tpu.memory_space<hbm>>)
      tpu.yield
    }) : () -> ()
    return
  }
}

module attributes {stable_mosaic.version = 14 : i64} {
  func.func @_linear_body(%arg0: i32, %arg1: memref<1024x256xf32, #tpu.memory_space<vmem>>, %arg2: memref<256x256xf32, #tpu.memory_space<vmem>>, %arg3: memref<1x256xf32, #tpu.memory_space<vmem>>, %arg4: memref<2x1024x128xf32, #tpu.memory_space<vmem>>) attributes {dimension_semantics = [#tpu.dimension_semantics<arbitrary>], iteration_bounds = array<i64: 10>, scalar_prefetch = 0 : i64, scratch_operands = 0 : i64, tpu.core_type = #tpu.core_type<tc>, window_params = [{transform_indices = @transform_0, window_bounds = array<i64: 1024, 256>}, {pipeline_mode = #tpu.pipeline_mode<synchronous>, transform_indices = @transform_1, window_bounds = array<i64: 256, 256>}, {pipeline_mode = #tpu.pipeline_mode<synchronous>, transform_indices = @transform_2, window_bounds = array<i64: 1, 256>}, {transform_indices = @transform_3, window_bounds = array<i64: 2, 1024, 128>}]} {
    %get3A = arith.constant 0 : index
    %get3A_0 = arith.constant 0 : index
    %get3A_1 = vector.load %arg1[%get3A, %get3A_0] : memref<1024x256xf32, #tpu.memory_space<vmem>>, vector<1024x256xf32>
    %get3A_2 = arith.constant 0 : index
    %get3A_3 = arith.constant 0 : index
    %get3A_4 = vector.load %arg2[%get3A_2, %get3A_3] : memref<256x256xf32, #tpu.memory_space<vmem>>, vector<256x256xf32>
    %dot_general3A = arith.constant dense<0.000000e+00> : vector<1024x256xf32>
    %dot_general3A_5 = tpu.matmul %get3A_1, %get3A_4, %dot_general3A {dimension_numbers = #tpu.dot_dimension_numbers<[1], [0], [0], [1], [0, 0, 1, 1], [], []>, transpose_lhs_hint = false} : vector<1024x256xf32>, vector<256x256xf32>, vector<1024x256xf32> -> vector<1024x256xf32>
    %get3A_6 = arith.constant 0 : index
    %get3A_7 = arith.constant 0 : index
    %get3A_8 = vector.load %arg3[%get3A_6, %get3A_7] : memref<1x256xf32, #tpu.memory_space<vmem>>, vector<1x256xf32>
    %add3A = vector.broadcast %get3A_8 : vector<1x256xf32> to vector<1024x256xf32>
    %add3A_9 = arith.addf %dot_general3A_5, %add3A : vector<1024x256xf32>
    %slice3A = vector.extract_strided_slice %add3A_9 {offsets = [0, 0], sizes = [1024, 128], strides = [1, 1]} : vector<1024x256xf32> to vector<1024x128xf32>
    %swap3A = arith.constant 0 : index
    %swap3A_10 = arith.constant 0 : index
    %swap3A_11 = arith.constant 0 : index
    %swap3A_12 = vector.load %arg4[%swap3A, %swap3A_10, %swap3A_11] : memref<2x1024x128xf32, #tpu.memory_space<vmem>>, vector<1x1024x128xf32>
    %swap3A_13 = vector.shape_cast %swap3A_12 : vector<1x1024x128xf32> to vector<1024x128xf32>
    %swap3A_14 = vector.shape_cast %slice3A : vector<1024x128xf32> to vector<1x1024x128xf32>
    tpu.vector_store %arg4[%swap3A, %swap3A_10, %swap3A_11], %swap3A_14 {strides = array<i32>} : memref<2x1024x128xf32, #tpu.memory_space<vmem>>, vector<1x1024x128xf32>,
    %slice3A_15 = vector.extract_strided_slice %add3A_9 {offsets = [0, 128], sizes = [1024, 128], strides = [1, 1]} : vector<1024x256xf32> to vector<1024x128xf32>
    %swap3A_16 = arith.constant 1 : index
    %swap3A_17 = arith.constant 0 : index
    %swap3A_18 = arith.constant 0 : index
    %swap3A_19 = vector.load %arg4[%swap3A_16, %swap3A_17, %swap3A_18] : memref<2x1024x128xf32, #tpu.memory_space<vmem>>, vector<1x1024x128xf32>
    %swap3A_20 = vector.shape_cast %swap3A_19 : vector<1x1024x128xf32> to vector<1024x128xf32>
    %swap3A_21 = vector.shape_cast %slice3A_15 : vector<1024x128xf32> to vector<1x1024x128xf32>
    tpu.vector_store %arg4[%swap3A_16, %swap3A_17, %swap3A_18], %swap3A_21 {strides = array<i32>} : memref<2x1024x128xf32, #tpu.memory_space<vmem>>, vector<1x1024x128xf32>,
    return
  }
  func.func @transform_0(%arg0: i32) -> (i32, i32) {
    %c0_i32 = arith.constant 0 : i32
    %c0_i32_0 = arith.constant 0 : i32
    return %arg0, %c0_i32 : i32, i32
  }
  func.func @transform_1(%arg0: i32) -> (i32, i32) {
    %c0_i32 = arith.constant 0 : i32
    %c0_i32_0 = arith.constant 0 : i32
    %c0_i32_1 = arith.constant 0 : i32
    return %c0_i32, %c0_i32_0 : i32, i32
  }
  func.func @transform_2(%arg0: i32) -> (i32, i32) {
    %c0_i32 = arith.constant 0 : i32
    %c0_i32_0 = arith.constant 0 : i32
    %c0_i32_1 = arith.constant 0 : i32
    return %c0_i32, %c0_i32_0 : i32, i32
  }
  func.func @transform_3(%arg0: i32) -> (i32, i32, i32) {
    %c0_i32 = arith.constant 0 : i32
    %c0_i32_0 = arith.constant 0 : i32
    %c0_i32_1 = arith.constant 0 : i32
    return %c0_i32, %arg0, %c0_i32_0 : i32, i32, i32
  }
}

</mosaic_0001>

<sc_bundles>
// kernel: kernel.4.cloned.1.call-start
scs
__scs_entry_jumppad:
0x0: {  	(pc) =	sbr.rel $0x88, $3  }
0x1: {  	(tag) =	ssettag $0x0;
	lr =	simm.s32 $0x1  }
0x2: {  	[smem:$0x3F9D] =	sst lr;
	_ =	strace $0xD0000000  }
0x3: {  	_ = 	snop  }
0x4: {  	_ = 	snop  }
0x5: {  	_ = 	snop  }
0x6: {  	_ = 	snop  }
0x7: {  	_ = 	snop  }
__scs_overlays_trampoline_lowered:
0x8: {  	[smem:$0x3FAC] =	sst s0  }
0x9: {  	[smem:$0x3FAD] =	sst s1  }
0xa: {  	[smem:$0x3FAE] =	sst s2  }
0xb: {  	[smem:$0x3FAF] =	sst s3  }
0xc: {  	[smem:$0x3FB0] =	sst s4  }
0xd: {  	[smem:$0x3FB1] =	sst s5  }
0xe: {  	[smem:$0x3FB2] =	sst s6  }
0xf: {  	[smem:$0x3FB3] =	sst s7  }
0x10: {  	[smem:$0x3FB4] =	sst s8  }
0x11: {  	[smem:$0x3FB5] =	sst s9;
	s0 =	simm.s32 @!p0 $0x0  }
0x12: {  	s1 =	sld [smem:$0x3F9B];
	s0 =	simm.s32 @p0 $0x1  }
0x13: {  	[smem:$0x3FB6] =	sst s0;
	s0 =	simm.s32 @!p1 $0x0  }
0x14: {  	s2 =	sld [smem:$0x3F9A];
	s0 =	simm.s32 @p1 $0x1  }
0x15: {  	[smem:$0x3FB7] =	sst s0;
	s0 =	simm.s32 @!p2 $0x0  }
0x16: {  	s3 =	sld [smem:$0x3FDB];
	s0 =	simm.s32 @p2 $0x1  }
0x17: {  	s4 =	simm.s32 $0x1BF5;
	[smem:$0x3FB9] =	sst s0  }
0x18: {  	s0 =	sld [smem:$0x3F9C];
	_ =	swait.ge [sflag:s4], $0x0  }
0x19: {  	s7 =	sld [smem:$0x3F9D]  }
0x1a: {  	s8 =	sadd.s32 $0xFFFFE003, lr  }
0x1b: {  	s9 =	sadd.s32 $0xFFFFFEF7, lr;
	s5 =	simm.s32 $0xFFFFFFFF;
	p2 =	slt.u32 s8, $0xFFFFF086  }
0x1c: {  	p1 =	slt.u32 s9, $0xF7A;
	s5 =	simm.s32 @!p2 $0x0  }
0x1d: {  	s5 =	simm.s32 @p1 $0x1;
	p0 =	seq.s32 s7, s2  }
0x1e: {  	s7 =	smul.u32 @!p0 $0xF7A, s2;
	p2 =	seq.s32 @!p0 s5, $0x0  }
0x1f: {  	s9 =	smul.u32 $0xF7A, s1;
	s8 =	simm.s32 @!p0 $0x1BF5;
	p2 =	por !p2, p0  }
0x20: {  	[sflag:s8] =	ssyncset.s32 @!p0 $0xFFFFF086;
	s6 =	sadd.s32 @!p0 s3, s7;
	s7 =	simm.s32 @!p0 $0x108  }
0x21: {  	s3 =	sadd.s32 s3, s9;
	s6 =	sadd.s32 @!p0 $0x88, s6;
	s7 =	simm.s32 @p2 $0x1082  }
0x22: {  	[simem:s7], [sflag:s8] =	dma.local @!p0 [hbm:s6], $0xF7A  }
0x23: {  	s9 =	sor.u32 $0xD0000000, s2;
	s6 =	simm.s32 $0x108;
	_ =	swait.ge @!p0 [sflag:s8], $0x0  }
0x24: {  	s3 =	sadd.s32 $0x88, s3;
	s6 =	simm.s32 @!p1 $0x1082;
	[sflag:s4] =	ssyncset.s32 $0xFFFFF086  }
0x25: {  	[simem:s6], [sflag:s4] =	dma.local [hbm:s3], $0xF7A  }
0x26: {  	[smem:$0x3F9D] =	sst s1;
	(tag) =	ssettag s2;
	_ =	strace s9  }
0x27: {  	s1 =	sld [smem:$0x3FAD]  }
0x28: {  	s2 =	sld [smem:$0x3FAE]  }
0x29: {  	s4 =	sld [smem:$0x3FB0]  }
0x2a: {  	p0 =	seq.s32 s5, $0x0;
	s5 =	sld [smem:$0x3FB1]  }
0x2b: {  	s6 =	sld [smem:$0x3FB2]  }
0x2c: {  	s7 =	sld [smem:$0x3FB3]  }
0x2d: {  	s3 =	simm.s32 $0x108;
	s8 =	sld [smem:$0x3FB4]  }
0x2e: {  	s3 =	simm.s32 @!p0 $0x1082;
	s9 =	sld [smem:$0x3FB5]  }
0x2f: {  	lr =	sadd.s32 s0, s3;
	s0 =	sld [smem:$0x3FAC]  }
0x30: {  	s3 =	sld [smem:$0x3FAF]  }
0x31: {  	[smem:$0x3FB8] =	sst s10  }
0x32: {  	s10 =	sld [smem:$0x3FB6];
	_ =	sdelay $0x3  }
0x33: {  	p0 =	seq.s32 s10, $0x1;
	s10 =	sld [smem:$0x3FB8];
	_ =	sdelay $0x3  }
0x34: {  	[smem:$0x3FB8] =	sst s10  }
0x35: {  	s10 =	sld [smem:$0x3FB7];
	_ =	sdelay $0x3  }
0x36: {  	p1 =	seq.s32 s10, $0x1;
	s10 =	sld [smem:$0x3FB8];
	_ =	sdelay $0x3  }
0x37: {  	[smem:$0x3FB8] =	sst s10  }
0x38: {  	s10 =	sld [smem:$0x3FB9]  }
0x39: {  	_ = 	snop;
	(pc) =	sbr.ind lr, $3  }
0x3a: {  	_ = 	snop  }
0x3b: {  	_ = 	snop  }
0x3c: {  	p2 =	seq.s32 s10, $0x1;
	s10 =	sld [smem:$0x3FB8]  }
0x3d: {  	_ =	shalt  }
0x3e: {  	_ =	shalt  }
0x3f: {  	_ =	shalt  }
0x40: {  	_ =	shalt  }
0x41: {  	_ =	shalt  }
0x42: {  	_ =	shalt  }
0x43: {  	_ =	shalt  }
0x44: {  	_ =	shalt  }
0x45: {  	_ =	shalt  }
0x46: {  	_ =	shalt  }
0x47: {  	_ =	shalt  }
0x48: {  	_ =	shalt  }
0x49: {  	_ =	shalt  }
0x4a: {  	_ =	shalt  }
0x4b: {  	_ =	shalt  }
0x4c: {  	_ =	shalt  }
0x4d: {  	_ =	shalt  }
0x4e: {  	_ =	shalt  }
0x4f: {  	_ =	shalt  }
0x50: {  	_ =	shalt  }
0x51: {  	_ =	shalt  }
0x52: {  	_ =	shalt  }
0x53: {  	_ =	shalt  }
0x54: {  	_ =	shalt  }
0x55: {  	_ =	shalt  }
0x56: {  	_ =	shalt  }
0x57: {  	_ =	shalt  }
0x58: {  	_ =	shalt  }
0x59: {  	_ =	shalt  }
0x5a: {  	_ =	shalt  }
0x5b: {  	_ =	shalt  }
0x5c: {  	_ =	shalt  }
0x5d: {  	_ =	shalt  }
0x5e: {  	_ =	shalt  }
0x5f: {  	_ =	shalt  }
0x60: {  	_ =	shalt  }
0x61: {  	_ =	shalt  }
0x62: {  	_ =	shalt  }
0x63: {  	_ =	shalt  }
0x64: {  	_ =	shalt  }
0x65: {  	_ =	shalt  }
0x66: {  	_ =	shalt  }
0x67: {  	_ =	shalt  }
0x68: {  	_ =	shalt  }
0x69: {  	_ =	shalt  }
0x6a: {  	_ =	shalt  }
0x6b: {  	_ =	shalt  }
0x6c: {  	_ =	shalt  }
0x6d: {  	_ =	shalt  }
0x6e: {  	_ =	shalt  }
0x6f: {  	_ =	shalt  }
0x70: {  	_ =	shalt  }
0x71: {  	_ =	shalt  }
0x72: {  	_ =	shalt  }
0x73: {  	_ =	shalt  }
0x74: {  	_ =	shalt  }
0x75: {  	_ =	shalt  }
0x76: {  	_ =	shalt  }
0x77: {  	_ =	shalt  }
0x78: {  	_ =	shalt  }
0x79: {  	_ =	shalt  }
0x7a: {  	_ =	shalt  }
0x7b: {  	_ =	shalt  }
0x7c: {  	_ =	shalt  }
0x7d: {  	_ =	shalt  }
0x7e: {  	_ =	shalt  }
0x7f: {  	_ =	shalt  }
0x80: {  	_ =	shalt  }
0x81: {  	_ =	shalt  }
0x82: {  	_ =	shalt  }
0x83: {  	_ =	shalt  }
0x84: {  	_ =	shalt  }
0x85: {  	_ =	shalt  }
0x86: {  	_ =	shalt  }
0x87: {  	_ =	shalt  }
.Lfunc_end0:
.L_simem_size_0:
called_computation_lowered:
.L_overlay_start_0:
0x88: {  	s2 =	sld [smem:$0x3FD9]  }
0x89: {  	s3 =	sld [smem:$0x3FFE];
	_ =	sdelay $0x1  }
0x8a: {  	s1 =	srdreg.scid  }
0x8b: {  	s0 =	sand.u32 $0x1, s1  }
0x8c: {  	s17 =	sshll.u32 s0, $0xA;
	s2 =	sadd.s32 s3, s2  }
0x8d: {  	s2 =	sadd.s32 s2, s17  }
0x8e: {  	[smem:$0x3FC4] =	sst s2  }
0x8f: {  	_ = 	snop  }
0x90: {  	s2 =	sld [smem:$0x3FD0];
	(tm) =	ssettm $0x1  }
0x91: {  	s18 =	sld [smem:$0x3FFB];
	_ =	sdelay $0x3  }
0x92: {  	_ =	strace s18  }
0x93: {  	s3 =	sld [smem:$0x3FFC];
	_ =	sdelay $0x3  }
0x94: {  	_ =	strace s3  }
0x95: {  	s3 =	sld [smem:$0x3FFD];
	_ =	sdelay $0x3  }
0x96: {  	_ =	strace s3  }
0x97: {  	_ =	strace $0x8FFFFFFF  }
0x98: {  	s19 =	sld [smem:$0x3FDB];
	_ =	sdelay $0x1  }
0x99: {  	s4 =	simm.s32 $_scs_section_size  }
0x9a: {  	s5 =	simm.s32 $_size__tile_overlayer_lowered;
	s6 =	simm.s32 $_tile_overlayer_lowered  }
0x9b: {  	s22 =	simm.s32 $0x1BFF;
	s21 =	sshll.u32 s6, $0x1;
	s3 =	sadd.s32 s4, s19  }
0x9c: {  	s7 =	simm.s32 $0x0;
	s20 =	sshll.u32 s5, $0x1;
	s5 =	sadd.s32 s21, s3  }
0x9d: {  	[timem:s7], [sflag:s22] =	dma.local [hbm:s5], s20  }
0x9e: {  	_ =	swait.ge [sflag:s22], s20  }
0x9f: {  	s4 =	ssub.s32 $0x0, s20;
	[sflag:s22] =	ssyncset.done $0x0  }
0xa0: {  	[sflag:s22] =	ssyncadd.s32 s4;
	_ =	sdelay $0x1  }
0xa1: {  	s23 =	simm.s32 $0x1B8B  }
0xa2: {  	_ =	swait.ge [sflag:s23], $0x1  }
0xa3: {  	[sflag:s23] =	ssyncset.done $0x0  }
0xa4: {  	s25 =	simm.s32 $0x1B8E;
	s24 =	sld [smem:$0x3FFE];
	[sflag:s23] =	ssyncadd.s32 $0xFFFFFFFF  }
0xa5: {  	s26 =	simm.s32 $execute0_lowered;
	[smem:$0x3FD2] =	sst s25  }
0xa6: {  	s5 =	sshll.u32 s26, $0x1;
	_ =	strace $0x80000046;
	[dreg:$0x1] =	wrdreg $0xFFFFFFFF  }
0xa7: {  	s28 =	simm.s32 $_size_execute0_lowered;
	s3 =	sadd.s32 s3, s5;
	[dreg:$0x0] =	wrdreg $0x0  }
0xa8: {  	s5 =	sshll.u32 s28, $0x1;
	[dreg:$0x2] =	wrdreg s3  }
0xa9: {  	[dreg:$0x3] =	wrdreg s5  }
0xaa: {  	[dreg:$0x4] =	wrdreg $0xC0  }
0xab: {  	_ =	task [dreg:s7], $0x5FFFF  }
0xac: {  	[dreg:$0x1] =	wrdreg $0xFFFFFFFF  }
0xad: {  	[dreg:$0x0] =	wrdreg $0x60  }
0xae: {  	[dreg:$0x2] =	wrdreg s24  }
0xaf: {  	[dreg:$0x3] =	wrdreg s2  }
0xb0: {  	[dreg:$0x4] =	wrdreg $0xA8000  }
0xb1: {  	[dreg:$0x5] =	wrdreg $0x9  }
0xb2: {  	_ =	task.clear_ibuf [dreg:s7], $0x6FFFF;
	_ =	strace $0x90000046  }
0xb3: {  	s29 =	simm.s32 $0x9;
	_ =	strace $0x80000048  }
0xb4: {  	_ =	swait.ge [sflag:s29], $0x1  }
0xb5: {  	[sflag:s29] =	ssyncadd.s32 $0xFFFFFFFF  }
0xb6: {  	_ =	strace $0x90000048  }
0xb7: {  	_ =	sfence  }
0xb8: {  	s30 =	sld [smem:$0x0];
	_ =	sdelay $0x2  }
0xb9: {  	s31 =	sshll.u32 s1, $0xD;
	s1 =	sshrl.u32 s1, $0x2  }
0xba: {  	s3 =	sand.u32 $0x4000, s31;
	s1 =	sadd.s32 s1, s30  }
0xbb: {  	s0 =	sor.u32 s3, s0;
	s1 =	sshll.u32 s1, $0x11  }
0xbc: {  	s0 =	sor.u32 s1, s0  }
0xbd: {  	s0 =	sadd.s32 $0x8F2B, s0  }
0xbe: {  	[sflag:s0] =	ssyncadd.remote.s32 $0x1  }
0xbf: {  	_ =	sfence.sel $0xFFFF  }
0xc0: {  	[dreg:$0x0] =	wrdreg $0xFFFFFFFF;
	(pc) =	sbr.abs _section_cstart, $3  }
0xc1: {  	[dreg:$0x1] =	wrdreg $0xFFFFFFFF  }
0xc2: {  	_ =	task.clear_ibuf [dreg:s7], $0x2FFFF;
	_ =	strace $0x9FFFFFFF  }
0xc3: {  	(tm) =	ssettm $0x7FFFFFFF  }
tec
execute0_lowered:
.L_overlay_start_1:
0x0: {  	(tag) =	ssettag $0x1  }
0x1: {  	s0 =	rddreg [dreg:$0x0]  }
0x2: {  	s2 =	rddreg [dreg:$0x2];
	s1 =	srdreg.scid;
	s18 =	simm.s32 $0x0  }
0x3: {  	s10 =	stileid.u32;
	s14 =	simm.s32 $0x9;
	s15 =	simm.s32 $0x1400  }
0x4: {  	s16 =	simm.s32 $0x40;
	s17 =	simm.s32 $0x2800;
	s19 =	simm.s32 $0x4800  }
0x5: {  	s21 =	simm.s32 $0x6800;
	s28 =	simm.s32 $0x5;
	s30 =	simm.s32 $0x3  }
0x6: {  	s31 =	simm.s32 $0x1500;
	s11 =	simm.s32 $0x1580;
	s4 =	smul.u32 $0x14000, s10  }
0x7: {  	s12 =	simm.s32 $0x7;
	s13 =	simm.s32 $0x8;
	s7 =	smul.u32 $0x50000, s10  }
0x8: {  	s1 =	sand.u32 $0x1, s1;
	[smem:$0x7FF] =	sst s18;
	s9 =	smul.u32 $0x2800, s10  }
0x9: {  	s5 =	sadd.s32 $0xA600, s0;
	s6 =	sadd.s32 $0x600, s0;
	s3 =	smul.u32 $0x140000, s1  }
0xa: {  	s26 =	sshll.u32 s10, $0x6;
	s23 =	smul.u32 $0x28000, s1;
	s8 =	ssub.s32 $0x2, s1  }
0xb: {  	_ =	strace $0x80000047;
	s1 =	smul.u32 $0x50000, s1;
	s24 =	sshrl.u32 s8, $0x1  }
0xc: {  	s25 =	sshrl.u32 s7, $0x2;
	s7 =	smul.u32 $0x5000, s10;
	s3 =	sadd.s32 s4, s3  }
0xd: {  	s4 =	sadd.s32 s9, s23;
	s23 =	simm.s32 $0x8800;
	s9 =	simm.s32 $0x300  }
0xe: {  	s3 =	sshrl.u32 s3, $0x3;
	s4 =	sadd.s32 s5, s4;
	s10 =	sadd.s32 s1, s7  }
0xf: {  	s0 =	sadd.s32 s3, s0;
	s3 =	ssub.s32 s8, s24;
	s8 =	sadd.s32 s25, s2  }
.Ltmp0:
0x10: {  	[dreg:$0x5] =	wrdreg s4;
	s4 =	sor.u32 $0x1C09, s26;
	(pc) =	sbr.rel .LBB2_1-.Ltmp0, $4  }
0x11: {  	s24 =	simm.s32 $0x1;
	s0 =	sadd.s32 $0x5A600, s0;
	[dreg:$0x6] =	wrdreg s4  }
0x12: {  	s25 =	simm.s32 $0x2;
	s29 =	smax.u32 s3, $0x1;
	[dreg:$0x7] =	wrdreg s0  }
0x13: {  	s20 =	sshrl.u32 s8, $0x3;
	s3 =	simm.s32 $0x280;
	[dreg:$0x8] =	wrdreg s29  }
0x14: {  	s8 =	simm.s32 $0x4;
	s0 =	simm.s32 $0x6;
	[dreg:$0x9] =	wrdreg s20  }
.LBB2_6:
0x15: {  	[bflag:$0x0] =	sbarrier.arrive $0xFFFF  }
0x16: {  	s4 =	rddreg [dreg:$0x6]  }
0x17: {  	s1 =	rddreg [dreg:$0x7]  }
0x18: {  	s20 =	rddreg [dreg:$0x9]  }
0x19: {  	[hbm:s1], [sflag:s4] =	dma.local [spmem:s20], $0x2800  }
0x1a: {  	_ =	swait.ge [sflag:s14], $0x2800  }
0x1b: {  	s18 =	rddreg [dreg:$0x4]  }
0x1c: {  	s29 =	rddreg [dreg:$0x8];
	s18 =	sadd.s32 $0x1, s18  }
0x1d: {  	p0 =	sne.s32 s18, s29  }
.Ltmp1:
0x1e: {  	_ = 	snop;
	(pc) =	sbr.rel @!p0 .LBB2_7-.Ltmp1, $3  }
0x1f: {  	_ =	sdelay $0x1  }
0x20: {  	[sflag:s14] =	ssyncset.done $0x0  }
0x21: {  	[sflag:s14] =	ssyncadd.s32 $0xFFFFD800  }
.LBB2_1:
0x22: {  	[dreg:$0x4] =	wrdreg s18  }
0x23: {  	s1 =	rddreg [dreg:$0x5]  }
0x24: {  	[spmem:s20], [sflag:s4] =	dma.local [hbm:s1], $0x2800  }
.Ltmp2:
0x25: {  	_ =	swait.ge [sflag:s14], $0x2800;
	(pc) =	sbr.rel .LBB2_2-.Ltmp2, $4  }
0x26: {  	[sflag:s14] =	ssyncset.done $0x0  }
0x27: {  	[sflag:s14] =	ssyncadd.s32 $0xFFFFD800  }
0x28: {  	[bflag:$0x0] =	sbarrier.arrive $0xFFFF  }
0x29: {  	s4 =	simm.s32 $0x0  }
.LBB2_5:
0x2a: {  	_ =	swait.ge [sflag:s28], $0x2000  }
0x2b: {  	[sflag:s28] =	ssyncset.done $0x0  }
0x2c: {  	[sflag:s28] =	ssyncadd.s32 $0xFFFFE000  }
0x2d: {  	_ =	swait.ge [sflag:s0], $0x2000  }
0x2e: {  	[sflag:s0] =	ssyncset.done $0x0  }
0x2f: {  	s4 =	sadd.s32 $0x1, s4;
	[sflag:s0] =	ssyncadd.s32 $0xFFFFE000  }
0x30: {  	p0 =	sne.s32 s4, $0x4;
	_ =	swait.ge [sflag:s12], $0x2000  }
.Ltmp3:
0x31: {  	[sflag:s12] =	ssyncset.done $0x0;
	(pc) =	sbr.rel @!p0 .LBB2_6-.Ltmp3, $4  }
0x32: {  	[sflag:s12] =	ssyncadd.s32 $0xFFFFE000  }
0x33: {  	_ =	swait.ge [sflag:s13], $0x2000  }
0x34: {  	[sflag:s13] =	ssyncset.done $0x0  }
0x35: {  	[sflag:s13] =	ssyncadd.s32 $0xFFFFE000  }
.LBB2_2:
0x36: {  	s18 =	smul.u32 $0x1400, s4;
	_ =	sdelay $0x1  }
0x37: {  	s1 =	sadd.s32 s10, s18  }
0x38: {  	s20 =	rddreg [dreg:$0x1];
	s1 =	sshrl.u32 s1, $0x3  }
0x39: {  	s20 =	sadd.s32 s20, s1;
	s1 =	simm.s32 $0x0  }
0x3a: {  	[tilespmem:s1], [sflag:$0x9] =	stream.linear.gather [hbm4b:s20+s1], $0x1400, $0x38;
	[tilespmem:$0x1E800] =	vst v63  }
0x3b: {  	s18 =	sadd.s32 s7, s18;
	_ =	swait.ge [sflag:s14], $0x1400  }
0x3c: {  	s18 =	sshrl.u32 s18, $0x3;
	[sflag:s14] =	ssyncset.done $0x0  }
0x3d: {  	s18 =	sadd.s32 s6, s18;
	[sflag:s14] =	ssyncadd.s32 $0xFFFFEC00  }
0x3e: {  	[tilespmem:s15], [sflag:$0x9] =	stream.linear.gather [hbm4b:s18+s1], $0x1400, $0x38;
	[tilespmem:$0x1E800] =	vst v63  }
0x3f: {  	_ =	swait.ge [sflag:s14], $0x1400  }
0x40: {  	[sflag:s14] =	ssyncset.done $0x0  }
0x41: {  	[sflag:s14] =	ssyncadd.s32 $0xFFFFEC00  }
0x42: {  	[tilespmem:s17], [sflag:$0x1] =	stream.indirect.gather [hbm4b:s5+s16], $0x80, s1, s16, $0xb8;
	[tilespmem:$0x1E800] =	vst v63  }
0x43: {  	s29 =	simm.s32 $0x80  }
0x44: {  	[tilespmem:s19], [sflag:$0x2] =	stream.indirect.gather [hbm4b:s5+s16], $0x80, s29, s16, $0xb8;
	[tilespmem:$0x1E800] =	vst v63  }
0x45: {  	s20 =	simm.s32 $0x100  }
0x46: {  	[tilespmem:s21], [sflag:$0x3] =	stream.indirect.gather [hbm4b:s5+s16], $0x80, s20, s16, $0xb8;
	[tilespmem:$0x1E800] =	vst v63  }
0x47: {  	s22 =	simm.s32 $0x180  }
0x48: {  	[tilespmem:s23], [sflag:$0x4] =	stream.indirect.gather [hbm4b:s5+s16], $0x80, s22, s16, $0xb8;
	[tilespmem:$0x1E800] =	vst v63  }
0x49: {  	_ =	swait.ge [sflag:s24], $0x2000  }
0x4a: {  	[sflag:s24] =	ssyncset.done $0x0  }
0x4b: {  	[sflag:s24] =	ssyncadd.s32 $0xFFFFE000  }
0x4c: {  	[spmem:s2] =	stream.indirect.scatter.add.f32 [tilespmem:s17], [sflag:$0x5], $0x80, s15, s16, $0xb8;
	[tilespmem:$0x1E800] =	vst v63  }
0x4d: {  	_ =	swait.ge [sflag:s25], $0x2000  }
0x4e: {  	[sflag:s25] =	ssyncset.done $0x0  }
0x4f: {  	s26 =	simm.s32 $0x1480;
	[sflag:s25] =	ssyncadd.s32 $0xFFFFE000  }
0x50: {  	[spmem:s2] =	stream.indirect.scatter.add.f32 [tilespmem:s19], [sflag:$0x6], $0x80, s26, s16, $0xb8;
	[tilespmem:$0x1E800] =	vst v63  }
0x51: {  	_ =	swait.ge [sflag:s28], $0x2000  }
0x52: {  	[sflag:s28] =	ssyncset.done $0x0  }
0x53: {  	s29 =	simm.s32 $0x200;
	[sflag:s28] =	ssyncadd.s32 $0xFFFFE000  }
0x54: {  	[tilespmem:s17], [sflag:$0x1] =	stream.indirect.gather [hbm4b:s5+s16], $0x80, s29, s16, $0xb8;
	[tilespmem:$0x1E800] =	vst v63  }
0x55: {  	_ =	swait.ge [sflag:s30], $0x2000  }
0x56: {  	[sflag:s30] =	ssyncset.done $0x0  }
0x57: {  	[sflag:s30] =	ssyncadd.s32 $0xFFFFE000  }
0x58: {  	[spmem:s2] =	stream.indirect.scatter.add.f32 [tilespmem:s21], [sflag:$0x7], $0x80, s31, s16, $0xb8;
	[tilespmem:$0x1E800] =	vst v63  }
0x59: {  	_ =	swait.ge [sflag:s0], $0x2000  }
0x5a: {  	[sflag:s0] =	ssyncset.done $0x0  }
0x5b: {  	[sflag:s0] =	ssyncadd.s32 $0xFFFFE000  }
0x5c: {  	[tilespmem:s19], [sflag:$0x2] =	stream.indirect.gather [hbm4b:s5+s16], $0x80, s3, s16, $0xb8;
	[tilespmem:$0x1E800] =	vst v63  }
0x5d: {  	_ =	swait.ge [sflag:s8], $0x2000  }
0x5e: {  	[sflag:s8] =	ssyncset.done $0x0  }
0x5f: {  	[sflag:s8] =	ssyncadd.s32 $0xFFFFE000  }
0x60: {  	[spmem:s2] =	stream.indirect.scatter.add.f32 [tilespmem:s23], [sflag:$0x8], $0x80, s11, s16, $0xb8;
	[tilespmem:$0x1E800] =	vst v63  }
0x61: {  	_ =	swait.ge [sflag:s12], $0x2000  }
0x62: {  	[sflag:s12] =	ssyncset.done $0x0  }
0x63: {  	[sflag:s12] =	ssyncadd.s32 $0xFFFFE000  }
0x64: {  	[tilespmem:s21], [sflag:$0x3] =	stream.indirect.gather [hbm4b:s5+s16], $0x80, s9, s16, $0xb8;
	[tilespmem:$0x1E800] =	vst v63  }
.LBB2_3:
0x65: {  	_ =	swait.ge [sflag:s24], $0x2000  }
0x66: {  	s18 =	sshra.s32 s1, $0x2;
	[sflag:s24] =	ssyncset.done $0x0  }
0x67: {  	s20 =	sadd.s32 $0x1600, s18;
	[sflag:s24] =	ssyncadd.s32 $0xFFFFE000  }
0x68: {  	[spmem:s2] =	stream.indirect.scatter.add.f32 [tilespmem:s17], [sflag:$0x5], $0x80, s20, s16, $0xb8;
	[tilespmem:$0x1E800] =	vst v63  }
0x69: {  	_ =	swait.ge [sflag:s13], $0x2000  }
0x6a: {  	[sflag:s13] =	ssyncset.done $0x0  }
0x6b: {  	s22 =	sadd.s32 $0x380, s18;
	[sflag:s13] =	ssyncadd.s32 $0xFFFFE000  }
0x6c: {  	[tilespmem:s23], [sflag:$0x4] =	stream.indirect.gather [hbm4b:s5+s16], $0x80, s22, s16, $0xb8;
	[tilespmem:$0x1E800] =	vst v63  }
0x6d: {  	_ =	swait.ge [sflag:s25], $0x2000  }
0x6e: {  	p0 =	seq.s32 s1, $0x4000;
	[sflag:s25] =	ssyncset.done $0x0  }
0x6f: {  	s26 =	sadd.s32 $0x1680, s18;
	s20 =	simm.s32 @p0 $0x3;
	[sflag:s25] =	ssyncadd.s32 $0xFFFFE000  }
0x70: {  	[spmem:s2] =	stream.indirect.scatter.add.f32 [tilespmem:s19], [sflag:$0x6], $0x80, s26, s16, $0xb8;
	[tilespmem:$0x1E800] =	vst v63  }
0x71: {  	_ =	swait.ge @p0 [sflag:s20], $0x2000  }
0x72: {  	[sflag:s20] =	ssyncset.done @p0 $0x0  }
0x73: {  	[sflag:s20] =	ssyncadd.s32 @p0 $0xFFFFE000;
	s20 =	sshra.s32 @p0 s1, $0x2  }
0x74: {  	s22 =	simm.s32 @p0 $0x40;
	s26 =	simm.s32 @p0 $0x6800;
	s20 =	sadd.s32 @p0 $0x1700, s20  }
0x75: {  	[spmem:s2] =	stream.indirect.scatter.add.f32 @p0 [tilespmem:s26], [sflag:$0x7], $0x80, s20, s22, $0xb8;
	[tilespmem:$0x1E800] =	vst v63  }
0x76: {  	s20 =	simm.s32 @!p0 $0x5  }
0x77: {  	_ =	swait.ge @!p0 [sflag:s20], $0x2000  }
0x78: {  	[sflag:s20] =	ssyncset.done @!p0 $0x0  }
0x79: {  	[sflag:s20] =	ssyncadd.s32 @!p0 $0xFFFFE000;
	s20 =	sshra.s32 @!p0 s1, $0x2  }
0x7a: {  	s29 =	simm.s32 @!p0 $0x2800;
	s26 =	simm.s32 @!p0 $0x40;
	s22 =	sadd.s32 @!p0 $0x400, s20  }
0x7b: {  	[tilespmem:s29], [sflag:$0x1] =	stream.indirect.gather @!p0 [hbm4b:s5+s26], $0x80, s22, s26, $0xb8;
	[tilespmem:$0x1E800] =	vst v63  }
0x7c: {  	s22 =	simm.s32 @!p0 $0x3  }
0x7d: {  	_ =	swait.ge @!p0 [sflag:s22], $0x2000  }
0x7e: {  	[sflag:s22] =	ssyncset.done @!p0 $0x0  }
0x7f: {  	s29 =	simm.s32 @!p0 $0x6800;
	[sflag:s22] =	ssyncadd.s32 @!p0 $0xFFFFE000;
	s22 =	sadd.s32 @!p0 $0x1700, s20  }
0x80: {  	[spmem:s2] =	stream.indirect.scatter.add.f32 @!p0 [tilespmem:s29], [sflag:$0x7], $0x80, s22, s26, $0xb8;
	[tilespmem:$0x1E800] =	vst v63  }
0x81: {  	s22 =	simm.s32 @!p0 $0x6  }
0x82: {  	_ =	swait.ge @!p0 [sflag:s22], $0x2000  }
0x83: {  	[sflag:s22] =	ssyncset.done @!p0 $0x0  }
0x84: {  	s20 =	sadd.s32 @!p0 $0x480, s20;
	[sflag:s22] =	ssyncadd.s32 @!p0 $0xFFFFE000;
	s22 =	simm.s32 @!p0 $0x4800  }
0x85: {  	[tilespmem:s22], [sflag:$0x2] =	stream.indirect.gather @!p0 [hbm4b:s5+s26], $0x80, s20, s26, $0xb8;
	[tilespmem:$0x1E800] =	vst v63  }
.Ltmp4:
0x86: {  	_ = 	snop;
	(pc) =	sbr.rel @p0 .LBB2_5-.Ltmp4, $4  }
0x87: {  	_ =	swait.ge [sflag:s8], $0x2000  }
0x88: {  	[sflag:s8] =	ssyncset.done $0x0  }
0x89: {  	s29 =	sadd.s32 $0x1780, s18;
	[sflag:s8] =	ssyncadd.s32 $0xFFFFE000  }
0x8a: {  	[spmem:s2] =	stream.indirect.scatter.add.f32 [tilespmem:s23], [sflag:$0x8], $0x80, s29, s16, $0xb8;
	[tilespmem:$0x1E800] =	vst v63  }
.Ltmp5:
0x8b: {  	(pc) =	sbr.rel .LBB2_3-.Ltmp5, $4  }
0x8c: {  	_ =	swait.ge [sflag:s12], $0x2000  }
0x8d: {  	[sflag:s12] =	ssyncset.done $0x0  }
0x8e: {  	s18 =	sadd.s32 $0x500, s18;
	s1 =	sadd.s32 $0x800, s1;
	[sflag:s12] =	ssyncadd.s32 $0xFFFFE000  }
0x8f: {  	[tilespmem:s21], [sflag:$0x3] =	stream.indirect.gather [hbm4b:s5+s16], $0x80, s18, s16, $0xb8;
	[tilespmem:$0x1E800] =	vst v63  }
.LBB2_7:
0x90: {  	_ =	sfence.sel $0x180000  }
0x91: {  	[bflag:$0x0] =	sbarrier.arrive $0xFFFF  }
0x92: {  	_ =	strace $0x90000047  }
0x93: {  	s0 =	stileid.u32;
	[bflag:$0x2] =	sbarrier.arrive $0xFFFF  }
0x94: {  	p0 =	sne.s32 s0, $0x0;
	s0 =	rddreg [dreg:$0x3]  }
0x95: {  	s0 =	sadd.s32 @!p0 $0x100000, s0  }
0x96: {  	[sflag:s0] =	ssyncadd.tile.s32 @!p0 $0x1;
	_ =	shalt  }
.Lfunc_end2:
_tile_overlayer_lowered:
.L_overlay_start_2:
0x97: {  	(tag) =	ssettag $0x2  }
0x98: {  	s0 =	rddreg [dreg:$0x0];
	s2 =	stileid.u32  }
0x99: {  	s1 =	rddreg [dreg:$0x1];
	p0 =	sne.s32 s2, $0x0  }
0x9a: {  	s3 =	rddreg [dreg:$0x2];
	[bflag:$0x3] =	sbarrier.arrive $0xFFFF;
	s2 =	simm.s32 @!p0 $0x1C09  }
0x9b: {  	[timem:s3], [sflag:s2] =	dma.local @!p0 [hbm:s0], s1  }
0x9c: {  	s0 =	simm.s32 @!p0 $0x9  }
0x9d: {  	_ =	swait.ge @!p0 [sflag:s0], s1  }
0x9e: {  	s1 =	ssub.s32 @!p0 $0x0, s1;
	[sflag:s0] =	ssyncset.done @!p0 $0x0  }
0x9f: {  	[sflag:s0] =	ssyncadd.s32 @!p0 s1  }
0xa0: {  	[bflag:$0x3] =	sbarrier.arrive $0xFFFF  }
0xa1: {  	_ =	shalt  }

</sc_bundles>
